<compile_context>
chip_gen: v7x
topology: tpu7x:2x2x1
jax: 0.10.2.dev20260603
libtpu: 0.0.44.dev20260713+nightly
codegen_flags: <defaults>
</compile_context>

<pallas_src>
import functools
import math

import jax
import jax.numpy as jnp
from jax import lax
from jax.experimental import pallas as pl
from jax.experimental.pallas import tpu as pltpu
from jax.experimental.pallas import tpu_sc as plsc

NUM_HEADS = 8
K_TOP = 1000
K_PAD = 1024
C = 96
CP = 128
HW = 50176

_SC_NC = 2
_SC_NS = 16
_SC_NW = _SC_NC * _SC_NS



def _gate_body(x_ref, w_ref, s_ref, t_ref):
  x = x_ref[...]
  s_ref[...] = jnp.dot(w_ref[...], x, preferred_element_type=jnp.float32)
  t_ref[...] = jnp.concatenate(
      [x.T, jnp.zeros((x.shape[1], CP - C), jnp.float32)], axis=1)


def _gate_scores(down_cm, wg8):
  grid = 14
  blk = HW // grid
  return pl.pallas_call(
      _gate_body,
      grid=(grid,),
      in_specs=[
          pl.BlockSpec((C, blk), lambda j: (0, j)),
          pl.BlockSpec((8, C), lambda j: (0, 0)),
      ],
      out_specs=[
          pl.BlockSpec((8, blk), lambda j: (0, j)),
          pl.BlockSpec((blk, CP), lambda j: (j, 0)),
      ],
      out_shape=[
          jax.ShapeDtypeStruct((8, HW), jnp.float32),
          jax.ShapeDtypeStruct((HW, CP), jnp.float32),
      ],
  )(down_cm, wg8)


def _untranspose_body(x_ref, o_ref):
  o_ref[...] = x_ref[:, :C].T


def _untranspose(x):
  grid = 14
  blk = HW // grid
  return pl.pallas_call(
      _untranspose_body,
      grid=(grid,),
      in_specs=[pl.BlockSpec((blk, CP), lambda j: (j, 0))],
      out_specs=pl.BlockSpec((C, blk), lambda j: (0, j)),
      out_shape=jax.ShapeDtypeStruct((C, HW), jnp.float32),
  )(x)


def _mm_bias_body(x_ref, w_ref, b_ref, o_ref):
  acc = jnp.dot(x_ref[...].astype(jnp.bfloat16), w_ref[...],
                preferred_element_type=jnp.float32) + b_ref[...]
  o_ref[...] = acc.astype(jnp.bfloat16)


def _conv1x1(x, w, b):
  n, cin = x.shape
  cout = w.shape[1]
  return pl.pallas_call(
      _mm_bias_body,
      out_shape=jax.ShapeDtypeStruct((n, cout), jnp.bfloat16),
  )(x, w, b)


def _convt_small_body(x_ref, w_ref, b_ref, o_ref):
  for p in range(4):
    py, px = p // 2, p % 2
    acc = jnp.zeros((56 * 56, C), jnp.float32)
    for a in range(2):
      for bb in range(2):
        ry, rx = a - 1 + py, bb - 1 + px
        ky, kx = 2 * a + py, 2 * bb + px
        xs = x_ref[pl.ds(1 + ry, 56), pl.ds(1 + rx, 56), :]
        acc = acc + jnp.dot(xs.reshape(56 * 56, C), w_ref[ky, kx],
                            preferred_element_type=jnp.float32)
    o_ref[p] = jnp.maximum(acc + b_ref[...], 0.0).astype(
        jnp.bfloat16).reshape(56, 56, C)


def _convt0(xp, w4, b):
  return pl.pallas_call(
      _convt_small_body,
      out_shape=jax.ShapeDtypeStruct((4, 56, 56, C), jnp.bfloat16),
  )(xp, w4, b)


def _conv3x3_body(x_ref, w_ref, b_ref, o_ref):
  acc = jnp.zeros((112 * 112, C), jnp.float32)
  for dy in range(3):
    for dx in range(3):
      xs = x_ref[pl.ds(dy, 112), pl.ds(dx, 112), :]
      acc = acc + jnp.dot(xs.reshape(112 * 112, C), w_ref[dy, dx],
                          preferred_element_type=jnp.float32)
  o_ref[...] = (acc + b_ref[...]).reshape(112, 112, C)


def _conv3x3_mid(xp, w9, b):
  return pl.pallas_call(
      _conv3x3_body,
      out_shape=jax.ShapeDtypeStruct((112, 112, C), jnp.float32),
  )(xp, w9, b)


def _convt_big_body(x_ref, w_ref, b_ref, o_ref):
  p = pl.program_id(0)
  py, px = p // 2, p % 2
  acc = jnp.zeros((112 * 112, CP), jnp.float32)
  for a in range(2):
    for bb in range(2):
      xs = x_ref[pl.ds(a + py, 112), pl.ds(bb + px, 112), :]
      acc = acc + jnp.dot(xs.reshape(112 * 112, C).astype(jnp.bfloat16),
                          w_ref[0, a, bb],
                          preferred_element_type=jnp.float32)
  o_ref[0] = jnp.maximum(acc + b_ref[...], 0.0).reshape(112, 112, CP)


def _convt1(xp, wp, b):
  return pl.pallas_call(
      _convt_big_body,
      grid=(4,),
      in_specs=[
          pl.BlockSpec((114, 114, C), lambda p: (0, 0, 0)),
          pl.BlockSpec((1, 2, 2, C, CP), lambda p: (p, 0, 0, 0, 0)),
          pl.BlockSpec((1, CP), lambda p: (0, 0)),
      ],
      out_specs=pl.BlockSpec((1, 112, 112, CP), lambda p: (p, 0, 0, 0)),
      out_shape=jax.ShapeDtypeStruct((4, 112, 112, CP), jnp.float32),
  )(xp, wp, b)


def _patch_mm_body(x_ref, m_ref, w_ref, b_ref, o_ref):
  xm = (x_ref[...] * m_ref[...]).astype(jnp.bfloat16)
  o_ref[...] = jnp.dot(xm, w_ref[...],
                       preferred_element_type=jnp.float32) + b_ref[...]


def _patch_mm(patches, mask, w, b):
  return pl.pallas_call(
      _patch_mm_body,
      out_shape=jax.ShapeDtypeStruct((K_PAD, C), jnp.float32),
  )(patches, mask, w, b)


def _mha_body(d_ref, s_ref, wq_ref, wkv_ref, bq_ref, bkv_ref, wo_ref,
              bo_ref, o_ref):
  hd = C // NUM_HEADS
  scale = 1.0 / math.sqrt(hd)
  q = jnp.dot(d_ref[...].astype(jnp.bfloat16), wq_ref[...],
              preferred_element_type=jnp.float32) + bq_ref[...]
  kv = jnp.dot(s_ref[...].astype(jnp.bfloat16), wkv_ref[...],
               preferred_element_type=jnp.float32) + bkv_ref[...]
  col = lax.broadcasted_iota(jnp.int32, (K_PAD, K_PAD), 1)
  kv_mask = col < K_TOP
  outs = []
  for h in range(NUM_HEADS):
    qh = q[:, h * hd:(h + 1) * hd].astype(jnp.bfloat16)
    kh = kv[:, h * hd:(h + 1) * hd].astype(jnp.bfloat16)
    vh = kv[:, C + h * hd:C + (h + 1) * hd].astype(jnp.bfloat16)
    s = lax.dot_general(qh, kh, (((1,), (1,)), ((), ())),
                        preferred_element_type=jnp.float32) * scale
    s = jnp.where(kv_mask, s, -1e30)
    m = jnp.max(s, axis=-1, keepdims=True)
    e = jnp.exp(s - m)
    p = (e * (1.0 / jnp.sum(e, axis=-1, keepdims=True))).astype(jnp.bfloat16)
    outs.append(jnp.dot(p, vh, preferred_element_type=jnp.float32))
  o = jnp.concatenate(outs, axis=1).astype(jnp.bfloat16)
  o_ref[...] = jnp.dot(o, wo_ref[...],
                       preferred_element_type=jnp.float32) + bo_ref[...]


def _mha(d_sub, s_sub, wq, wkv, bq, bkv, wo, bo):
  return pl.pallas_call(
      _mha_body,
      out_shape=jax.ShapeDtypeStruct((K_PAD, C), jnp.float32),
  )(d_sub, s_sub, wq, wkv, bq, bkv, wo, bo)



def _sc_mesh():
  return plsc.VectorSubcoreMesh(core_axis_name="c", subcore_axis_name="s",
                                num_cores=_SC_NC, num_subcores=_SC_NS)


@functools.partial(jax.jit, static_argnums=(2,))
def _sc_gather(table, idx, chunk):
  b = idx.shape[0]
  per_w = b // _SC_NW
  chunks = per_w // chunk

  @functools.partial(
      pl.kernel,
      mesh=_sc_mesh(),
      out_type=jax.ShapeDtypeStruct((b, CP), jnp.float32),
      scratch_types=[
          pltpu.VMEM((chunk,), jnp.int32),
          pltpu.VMEM((chunk, CP), jnp.float32),
          pltpu.SemaphoreType.DMA,
      ],
  )
  def gk(table_hbm, idx_hbm, out_hbm, idx_v, rows_v, sem):
    wid = lax.axis_index("s") * _SC_NC + lax.axis_index("c")
    base = wid * per_w
    for ci in range(chunks):
      off = base + ci * chunk
      pltpu.sync_copy(idx_hbm.at[pl.ds(off, chunk)], idx_v)
      pltpu.async_copy(table_hbm.at[idx_v], rows_v, sem).wait()
      pltpu.sync_copy(rows_v, out_hbm.at[pl.ds(off, chunk)])

  return gk(table, idx)


def _sc_scatter(dest_ref, att, idx):
  per_w = K_PAD // _SC_NW

  @functools.partial(
      pl.kernel,
      mesh=_sc_mesh(),
      out_type=(),
      scratch_types=[
          pltpu.VMEM((per_w,), jnp.int32),
          pltpu.VMEM((per_w, CP), jnp.float32),
          pltpu.SemaphoreType.DMA,
      ],
  )
  def sk(att_hbm, idx_hbm, dest_hbm, idx_v, rows_v, sem):
    wid = lax.axis_index("s") * _SC_NC + lax.axis_index("c")
    base = wid * per_w
    pltpu.sync_copy(idx_hbm.at[pl.ds(base, per_w)], idx_v)
    pltpu.sync_copy(att_hbm.at[pl.ds(base, per_w)], rows_v)
    pltpu.async_copy(rows_v, dest_hbm.at[idx_v], sem).wait()

  sk(att, idx, dest_ref)



def kernel(downsampling_features, swinT_features, Wt, bt, Wct0, bct0, Wc0,
           bc0, Wct1, bct1, Wc1, bc1, Wg, bg, in_proj_w, in_proj_b, out_w,
           out_b):
  down_cm = downsampling_features.reshape(C, HW)

  wg8 = jnp.zeros((8, C), jnp.float32).at[0].set(Wg[0])
  scores, down_hwc = _gate_scores(down_cm, wg8)
  top_idx = lax.top_k(scores[0], K_TOP)[1]
  idx_p = jnp.concatenate(
      [top_idx, jnp.broadcast_to(top_idx[K_TOP - 1:K_TOP], (K_PAD - K_TOP,))])

  d_sub = _sc_gather(down_hwc, idx_p, K_PAD // _SC_NW)

  bf16 = jnp.bfloat16
  sw_in = swinT_features.reshape(384, 56 * 56).T
  t0 = _conv1x1(sw_in, Wt.T.astype(bf16), bt.reshape(1, C)).reshape(
      56, 56, C)
  t0p = jnp.pad(t0, ((1, 1), (1, 1), (0, 0)))
  w4_0 = Wct0.transpose(2, 3, 1, 0).astype(bf16)
  u1ph = _convt0(t0p, w4_0, bct0.reshape(1, C))
  u1 = u1ph.reshape(2, 2, 56, 56, C).transpose(2, 0, 3, 1, 4).reshape(
      112, 112, C)
  u1p = jnp.pad(u1, ((1, 1), (1, 1), (0, 0)))
  t1 = _conv3x3_mid(u1p, Wc0.transpose(2, 3, 1, 0).astype(bf16),
                    bc0.reshape(1, C))
  t1p = jnp.pad(t1, ((1, 1), (1, 1), (0, 0)))

  w4_1 = jnp.pad(Wct1.transpose(2, 3, 1, 0), ((0, 0), (0, 0), (0, 0),
                                              (0, CP - C))).astype(bf16)
  wp = jnp.stack([
      w4_1[py::2][:2][:, px::2][:, :2]
      for py in range(2) for px in range(2)
  ])
  u3ph = _convt1(t1p, wp, jnp.pad(bct1, (0, CP - C)).reshape(1, CP))
  u3flat = u3ph.reshape(HW, CP)

  y = idx_p // 224
  x = idx_p % 224
  d3 = jnp.arange(3, dtype=jnp.int32)
  yy = y[:, None, None] + d3[None, :, None] - 1
  xx = x[:, None, None] + d3[None, None, :] - 1
  valid = (yy >= 0) & (yy < 224) & (xx >= 0) & (xx < 224)
  yyc = jnp.clip(yy, 0, 223)
  xxc = jnp.clip(xx, 0, 223)
  ph = (yyc % 2) * 2 + (xxc % 2)
  gidx = (ph * (112 * 112) + (yyc // 2) * 112 + (xxc // 2)).reshape(-1)
  patches = _sc_gather(u3flat, gidx, 96).reshape(K_PAD, 9 * CP)
  mask = jnp.repeat(valid.reshape(K_PAD, 9).astype(jnp.float32), CP, axis=1)
  w3f = jnp.pad(Wc1.transpose(2, 3, 1, 0),
                ((0, 0), (0, 0), (0, CP - C),
                 (0, 0))).reshape(9 * CP, C).astype(bf16)
  s_sub = _patch_mm(patches, mask, w3f, bc1.reshape(1, C))

  wq = jnp.pad(in_proj_w[:C].T, ((0, CP - C), (0, 0))).astype(bf16)
  wkv = in_proj_w[C:].T.astype(bf16)
  bq = in_proj_b[:C].reshape(1, C)
  bkv = in_proj_b[C:].reshape(1, 2 * C)
  att = _mha(d_sub, s_sub, wq, wkv, bq, bkv, out_w.T.astype(bf16),
             out_b.reshape(1, C))

  att_p = jnp.pad(att, ((0, 0), (0, CP - C)))
  dest = jax.new_ref(down_hwc)
  _sc_scatter(dest, att_p, idx_p)
  return _untranspose(dest[...]).reshape(1, C, 224, 224)

# --- scband reference (transcript-rebuilt; emitter-appended) ---
"""Pipeline reference for scband-gated-cross-attention-154618822691 (READ-ONLY COPY).

The authoritative reference and input builder live on the scoring server;
editing this copy changes nothing except your own understanding.
"""

import jax, jax.numpy as jnp
import numpy as np
from jax import lax

NUM_HEADS = 8
K_TOP = 1000


def _conv1x1(x, W, b):
    return jnp.einsum('bchw,oc->bohw', x, W) + b[None, :, None, None]


def _conv_transpose4x4_s2(x, W, b):
    y = lax.conv_general_dilated(x, W, window_strides=(1, 1), padding=((2, 2), (2, 2)), lhs_dilation=(2, 2), dimension_numbers=('NCHW', 'OIHW', 'NCHW'))
    return y + b[None, :, None, None]


def _conv3x3(x, W, b):
    y = lax.conv_general_dilated(x, W, window_strides=(1, 1), padding=((1, 1), (1, 1)), dimension_numbers=('NCHW', 'OIHW', 'NCHW'))
    return y + b[None, :, None, None]


def _mha(q_in, kv_in, in_proj_w, in_proj_b, out_w, out_b):
    L, B, Em = q_in.shape
    M = kv_in.shape[0]
    h = NUM_HEADS
    hd = Em // h
    Wq, Wk, Wv = in_proj_w[:Em], in_proj_w[Em:2 * Em], in_proj_w[2 * Em:]
    bq, bk, bv = in_proj_b[:Em], in_proj_b[Em:2 * Em], in_proj_b[2 * Em:]
    q = jnp.einsum('lbe,fe->lbf', q_in, Wq) + bq
    k = jnp.einsum('lbe,fe->lbf', kv_in, Wk) + bk
    v = jnp.einsum('lbe,fe->lbf', kv_in, Wv) + bv
    qh = q.reshape(L, B, h, hd).transpose(1, 2, 0, 3)
    kh = k.reshape(M, B, h, hd).transpose(1, 2, 0, 3)
    vh = v.reshape(M, B, h, hd).transpose(1, 2, 0, 3)
    scores = jnp.einsum('bhld,bhmd->bhlm', qh, kh) / jnp.sqrt(jnp.float32(hd))
    attn = jax.nn.softmax(scores, axis=-1)
    o = jnp.einsum('bhlm,bhmd->bhld', attn, vh)
    o = o.transpose(2, 0, 1, 3).reshape(L, B, Em)
    return jnp.einsum('lbe,fe->lbf', o, out_w) + out_b


def _forward(downsampling_features, swinT_features, Wt, bt, Wct0, bct0, Wc0, bc0, Wct1, bct1, Wc1, bc1, Wg, bg, in_proj_w, in_proj_b, out_w, out_b):
    sw = _conv1x1(swinT_features, Wt, bt)
    sw = _conv3x3(jax.nn.relu(_conv_transpose4x4_s2(sw, Wct0, bct0)), Wc0, bc0)
    sw = _conv3x3(jax.nn.relu(_conv_transpose4x4_s2(sw, Wct1, bct1)), Wc1, bc1)
    gate = jax.nn.sigmoid(_conv1x1(downsampling_features, Wg, bg))
    B, C, H, W = downsampling_features.shape
    down_flat = downsampling_features.reshape(B, C, H * W).transpose(2, 0, 1)
    sw_flat = sw.reshape(B, C, H * W).transpose(2, 0, 1)
    gate_flat = gate.reshape(B, -1)
    _, top_idx = lax.top_k(gate_flat, K_TOP)
    idx = top_idx.reshape(-1)
    d_sub = jnp.take(down_flat, idx, axis=0)
    s_sub = jnp.take(sw_flat, idx, axis=0)
    att_sub = _mha(d_sub, s_sub, in_proj_w, in_proj_b, out_w, out_b)
    attended = down_flat.at[idx].set(att_sub)
    return attended.transpose(1, 2, 0).reshape(B, C, H, W)


def setup_inputs(seed=0):
    key = jax.random.key(seed)
    ks = jax.random.split(key, 24)
    B, Cc, H, W = 1, 96, 224, 224
    Cs, Hs, Ws = 384, 56, 56
    s = 0.02
    inp = {}
    inp['downsampling_features'] = jax.random.normal(ks[0], (B, Cc, H, W), dtype=jnp.float32)
    inp['swinT_features'] = jax.random.normal(ks[1], (B, Cs, Hs, Ws), dtype=jnp.float32)
    inp['Wt'] = jax.random.normal(ks[2], (Cc, Cs), dtype=jnp.float32) * s
    inp['bt'] = jax.random.normal(ks[3], (Cc,), dtype=jnp.float32) * 0.01
    inp['Wct0'] = jax.random.normal(ks[4], (Cc, Cc, 4, 4), dtype=jnp.float32) * s
    inp['bct0'] = jax.random.normal(ks[5], (Cc,), dtype=jnp.float32) * 0.01
    inp['Wc0'] = jax.random.normal(ks[6], (Cc, Cc, 3, 3), dtype=jnp.float32) * s
    inp['bc0'] = jax.random.normal(ks[7], (Cc,), dtype=jnp.float32) * 0.01
    inp['Wct1'] = jax.random.normal(ks[8], (Cc, Cc, 4, 4), dtype=jnp.float32) * s
    inp['bct1'] = jax.random.normal(ks[9], (Cc,), dtype=jnp.float32) * 0.01
    inp['Wc1'] = jax.random.normal(ks[10], (Cc, Cc, 3, 3), dtype=jnp.float32) * s
    inp['bc1'] = jax.random.normal(ks[11], (Cc,), dtype=jnp.float32) * 0.01
    inp['Wg'] = jax.random.normal(ks[12], (1, Cc), dtype=jnp.float32) * 0.05
    inp['bg'] = jax.random.normal(ks[13], (1,), dtype=jnp.float32) * 0.01
    inp['in_proj_w'] = jax.random.normal(ks[14], (3 * Cc, Cc), dtype=jnp.float32) * 0.05
    inp['in_proj_b'] = jax.random.normal(ks[15], (3 * Cc,), dtype=jnp.float32) * 0.01
    inp['out_w'] = jax.random.normal(ks[16], (Cc, Cc), dtype=jnp.float32) * 0.05
    inp['out_b'] = jax.random.normal(ks[17], (Cc,), dtype=jnp.float32) * 0.01
    return inp


def reference(downsampling_features, swinT_features, Wt, bt, Wct0, bct0, Wc0, bc0, Wct1, bct1, Wc1, bc1, Wg, bg, in_proj_w, in_proj_b, out_w, out_b):
    return _forward(downsampling_features, swinT_features, Wt, bt, Wct0, bct0, Wc0, bc0, Wct1, bct1, Wc1, bc1, Wg, bg, in_proj_w, in_proj_b, out_w, out_b)

if __name__ == "__main__":
    import jax
    _d = setup_inputs()
    print(jax.jit(kernel)(*tuple(_d.values())))

</pallas_src>

<mosaic_0001>
#map = affine_map<(d0, d1) -> (0, 0)>
#map1 = affine_map<(d0, d1) -> (0)>
module attributes {stable_mosaic.version = 14 : i64} {
  func.func @gk(%arg0: i32, %arg1: i32, %arg2: memref<50176x128xf32, #tpu.memory_space<hbm>>, %arg3: memref<1024xi32, #tpu.memory_space<hbm>>, %arg4: memref<1024x128xf32, #tpu.memory_space<hbm>>, %arg5: memref<32xi32, #tpu.memory_space<vmem>>, %arg6: memref<32x128xf32, #tpu.memory_space<vmem>>, %arg7: memref<!tpu.dma_semaphore, #tpu.memory_space<semaphore_mem>>) attributes {dimension_semantics = [#tpu.dimension_semantics<core_parallel>, #tpu.dimension_semantics<subcore_parallel>], iteration_bounds = array<i64: 2, 16>, scalar_prefetch = 0 : i64, scratch_operands = 3 : i64, tpu.core_type = #tpu.core_type<sc_vector_subcore>, window_params = [{transform_indices = #map}, {transform_indices = #map1}, {transform_indices = #map}]} {
    %mul3A = arith.constant 2 : i32
    %mul3A_0 = arith.muli %arg1, %mul3A : i32
    %add3A = arith.addi %mul3A_0, %arg0 : i32
    %mul3A_1 = arith.constant 32 : i32
    %mul3A_2 = arith.muli %add3A, %mul3A_1 : i32
    %add3A_3 = arith.constant 0 : i32
    %add3A_4 = arith.addi %mul3A_2, %add3A_3 : i32
    "tpu.region"() ({
      %run_scoped3A = tpu.sem_alloc : memref<!tpu.dma_semaphore, #tpu.memory_space<semaphore_mem>>
      %dma_start3A_9 = tpu.memref_slice %arg3[%add3A_4] : memref<1024xi32, #tpu.memory_space<hbm>> -> memref<32xi32, #tpu.memory_space<hbm>>
      %dma_start3A_10 = tpu.memref_slice %arg3[%add3A_4] : memref<1024xi32, #tpu.memory_space<hbm>> -> memref<32xi32, #tpu.memory_space<hbm>>
      tpu.enqueue_dma source(%dma_start3A_10 : memref<32xi32, #tpu.memory_space<hbm>>) target(%arg5 : memref<32xi32, #tpu.memory_space<vmem>>) target_semaphore(%run_scoped3A : memref<!tpu.dma_semaphore, #tpu.memory_space<semaphore_mem>>)
      %dma_wait3A_11 = tpu.memref_slice %arg3[%add3A_4] : memref<1024xi32, #tpu.memory_space<hbm>> -> memref<32xi32, #tpu.memory_space<hbm>>
      %dma_wait3A_12 = tpu.memref_slice %arg3[%add3A_4] : memref<1024xi32, #tpu.memory_space<hbm>> -> memref<32xi32, #tpu.memory_space<hbm>>
      tpu.wait_dma2 semaphore(%run_scoped3A : memref<!tpu.dma_semaphore, #tpu.memory_space<semaphore_mem>>) src(%dma_wait3A_12 : memref<32xi32, #tpu.memory_space<hbm>>) dst(%arg5 : memref<32xi32, #tpu.memory_space<vmem>>)
      tpu.yield
    }) : () -> ()
    %dma_start3A = arith.constant 0 : i32
    %dma_start3A_5 = arith.constant 0 : i32
    %dma_start3A_6 = tpu.memref_slice %arg2[%dma_start3A, %dma_start3A_5] : memref<50176x128xf32, #tpu.memory_space<hbm>> -> memref<50176x128xf32, #tpu.memory_space<hbm>>
    tpu.enqueue_indirect_dma source(%dma_start3A_6 : memref<50176x128xf32, #tpu.memory_space<hbm>>) target(%arg6 : memref<32x128xf32, #tpu.memory_space<vmem>>) offsets(%arg5 : memref<32xi32, #tpu.memory_space<vmem>>) semaphore(%arg7 : memref<!tpu.dma_semaphore, #tpu.memory_space<semaphore_mem>>)
    %dma_wait3A = arith.constant 0 : i32
    %dma_wait3A_7 = arith.constant 0 : i32
    %dma_wait3A_8 = tpu.memref_slice %arg2[%dma_wait3A, %dma_wait3A_7] : memref<50176x128xf32, #tpu.memory_space<hbm>> -> memref<50176x128xf32, #tpu.memory_space<hbm>>
    tpu.wait_indirect_dma semaphore(%arg7 : memref<!tpu.dma_semaphore, #tpu.memory_space<semaphore_mem>>) src(%dma_wait3A_8 : memref<50176x128xf32, #tpu.memory_space<hbm>>) dst(%arg6 : memref<32x128xf32, #tpu.memory_space<vmem>>)
    "tpu.region"() ({
      %run_scoped3A = tpu.sem_alloc : memref<!tpu.dma_semaphore, #tpu.memory_space<semaphore_mem>>
      %dma_start3A_9 = arith.constant 0 : i32
      %dma_start3A_10 = tpu.memref_slice %arg4[%add3A_4, %dma_start3A_9] : memref<1024x128xf32, #tpu.memory_space<hbm>> -> memref<32x128xf32, #tpu.memory_space<hbm>>
      %dma_start3A_11 = arith.constant 0 : i32
      %dma_start3A_12 = tpu.memref_slice %arg4[%add3A_4, %dma_start3A_11] : memref<1024x128xf32, #tpu.memory_space<hbm>> -> memref<32x128xf32, #tpu.memory_space<hbm>>
      tpu.enqueue_dma source(%arg6 : memref<32x128xf32, #tpu.memory_space<vmem>>) target(%dma_start3A_12 : memref<32x128xf32, #tpu.memory_space<hbm>>) target_semaphore(%run_scoped3A : memref<!tpu.dma_semaphore, #tpu.memory_space<semaphore_mem>>)
      %dma_wait3A_13 = arith.constant 0 : i32
      %dma_wait3A_14 = tpu.memref_slice %arg4[%add3A_4, %dma_wait3A_13] : memref<1024x128xf32, #tpu.memory_space<hbm>> -> memref<32x128xf32, #tpu.memory_space<hbm>>
      %dma_wait3A_15 = arith.constant 0 : i32
      %dma_wait3A_16 = tpu.memref_slice %arg4[%add3A_4, %dma_wait3A_15] : memref<1024x128xf32, #tpu.memory_space<hbm>> -> memref<32x128xf32, #tpu.memory_space<hbm>>
      tpu.wait_dma2 semaphore(%run_scoped3A : memref<!tpu.dma_semaphore, #tpu.memory_space<semaphore_mem>>) src(%arg6 : memref<32x128xf32, #tpu.memory_space<vmem>>) dst(%dma_wait3A_16 : memref<32x128xf32, #tpu.memory_space<hbm>>)
      tpu.yield
    }) : () -> ()
    return
  }
}

</mosaic_0001>

<sc_bundles>
// kernel: _sc_gather.3.cloned.1.call-start
scs
__scs_entry_jumppad:
0x0: {  	(pc) =	sbr.rel $0x88, $3  }
0x1: {  	(tag) =	ssettag $0x0;
	lr =	simm.s32 $0x1  }
0x2: {  	[smem:$0x3F9F] =	sst lr;
	_ =	strace $0xD0000000  }
0x3: {  	_ = 	snop  }
0x4: {  	_ = 	snop  }
0x5: {  	_ = 	snop  }
0x6: {  	_ = 	snop  }
0x7: {  	_ = 	snop  }
__scs_overlays_trampoline_lowered:
0x8: {  	[smem:$0x3FAE] =	sst s0  }
0x9: {  	[smem:$0x3FAF] =	sst s1  }
0xa: {  	[smem:$0x3FB0] =	sst s2  }
0xb: {  	[smem:$0x3FB1] =	sst s3  }
0xc: {  	[smem:$0x3FB2] =	sst s4  }
0xd: {  	[smem:$0x3FB3] =	sst s5  }
0xe: {  	[smem:$0x3FB4] =	sst s6  }
0xf: {  	[smem:$0x3FB5] =	sst s7  }
0x10: {  	[smem:$0x3FB6] =	sst s8  }
0x11: {  	[smem:$0x3FB7] =	sst s9;
	s0 =	simm.s32 @!p0 $0x0  }
0x12: {  	s1 =	sld [smem:$0x3F9D];
	s0 =	simm.s32 @p0 $0x1  }
0x13: {  	[smem:$0x3FB8] =	sst s0;
	s0 =	simm.s32 @!p1 $0x0  }
0x14: {  	s2 =	sld [smem:$0x3F9C];
	s0 =	simm.s32 @p1 $0x1  }
0x15: {  	[smem:$0x3FB9] =	sst s0;
	s0 =	simm.s32 @!p2 $0x0  }
0x16: {  	s3 =	sld [smem:$0x3FDB];
	s0 =	simm.s32 @p2 $0x1  }
0x17: {  	s4 =	simm.s32 $0x1BF5;
	[smem:$0x3FBB] =	sst s0  }
0x18: {  	s0 =	sld [smem:$0x3F9E];
	_ =	swait.ge [sflag:s4], $0x0  }
0x19: {  	s7 =	sld [smem:$0x3F9F]  }
0x1a: {  	s8 =	sadd.s32 $0xFFFFE003, lr  }
0x1b: {  	s9 =	sadd.s32 $0xFFFFFEF7, lr;
	s5 =	simm.s32 $0xFFFFFFFF;
	p2 =	slt.u32 s8, $0xFFFFF086  }
0x1c: {  	p1 =	slt.u32 s9, $0xF7A;
	s5 =	simm.s32 @!p2 $0x0  }
0x1d: {  	s5 =	simm.s32 @p1 $0x1;
	p0 =	seq.s32 s7, s2  }
0x1e: {  	s7 =	smul.u32 @!p0 $0xF7A, s2;
	p2 =	seq.s32 @!p0 s5, $0x0  }
0x1f: {  	s9 =	smul.u32 $0xF7A, s1;
	s8 =	simm.s32 @!p0 $0x1BF5;
	p2 =	por !p2, p0  }
0x20: {  	[sflag:s8] =	ssyncset.s32 @!p0 $0xFFFFF086;
	s6 =	sadd.s32 @!p0 s3, s7;
	s7 =	simm.s32 @!p0 $0x108  }
0x21: {  	s3 =	sadd.s32 s3, s9;
	s6 =	sadd.s32 @!p0 $0x88, s6;
	s7 =	simm.s32 @p2 $0x1082  }
0x22: {  	[simem:s7], [sflag:s8] =	dma.local @!p0 [hbm:s6], $0xF7A  }
0x23: {  	s9 =	sor.u32 $0xD0000000, s2;
	s6 =	simm.s32 $0x108;
	_ =	swait.ge @!p0 [sflag:s8], $0x0  }
0x24: {  	s3 =	sadd.s32 $0x88, s3;
	s6 =	simm.s32 @!p1 $0x1082;
	[sflag:s4] =	ssyncset.s32 $0xFFFFF086  }
0x25: {  	[simem:s6], [sflag:s4] =	dma.local [hbm:s3], $0xF7A  }
0x26: {  	[smem:$0x3F9F] =	sst s1;
	(tag) =	ssettag s2;
	_ =	strace s9  }
0x27: {  	s1 =	sld [smem:$0x3FAF]  }
0x28: {  	s2 =	sld [smem:$0x3FB0]  }
0x29: {  	s4 =	sld [smem:$0x3FB2]  }
0x2a: {  	p0 =	seq.s32 s5, $0x0;
	s5 =	sld [smem:$0x3FB3]  }
0x2b: {  	s6 =	sld [smem:$0x3FB4]  }
0x2c: {  	s7 =	sld [smem:$0x3FB5]  }
0x2d: {  	s3 =	simm.s32 $0x108;
	s8 =	sld [smem:$0x3FB6]  }
0x2e: {  	s3 =	simm.s32 @!p0 $0x1082;
	s9 =	sld [smem:$0x3FB7]  }
0x2f: {  	lr =	sadd.s32 s0, s3;
	s0 =	sld [smem:$0x3FAE]  }
0x30: {  	s3 =	sld [smem:$0x3FB1]  }
0x31: {  	[smem:$0x3FBA] =	sst s10  }
0x32: {  	s10 =	sld [smem:$0x3FB8];
	_ =	sdelay $0x3  }
0x33: {  	p0 =	seq.s32 s10, $0x1;
	s10 =	sld [smem:$0x3FBA];
	_ =	sdelay $0x3  }
0x34: {  	[smem:$0x3FBA] =	sst s10  }
0x35: {  	s10 =	sld [smem:$0x3FB9];
	_ =	sdelay $0x3  }
0x36: {  	p1 =	seq.s32 s10, $0x1;
	s10 =	sld [smem:$0x3FBA];
	_ =	sdelay $0x3  }
0x37: {  	[smem:$0x3FBA] =	sst s10  }
0x38: {  	s10 =	sld [smem:$0x3FBB]  }
0x39: {  	_ = 	snop;
	(pc) =	sbr.ind lr, $3  }
0x3a: {  	_ = 	snop  }
0x3b: {  	_ = 	snop  }
0x3c: {  	p2 =	seq.s32 s10, $0x1;
	s10 =	sld [smem:$0x3FBA]  }
0x3d: {  	_ =	shalt  }
0x3e: {  	_ =	shalt  }
0x3f: {  	_ =	shalt  }
0x40: {  	_ =	shalt  }
0x41: {  	_ =	shalt  }
0x42: {  	_ =	shalt  }
0x43: {  	_ =	shalt  }
0x44: {  	_ =	shalt  }
0x45: {  	_ =	shalt  }
0x46: {  	_ =	shalt  }
0x47: {  	_ =	shalt  }
0x48: {  	_ =	shalt  }
0x49: {  	_ =	shalt  }
0x4a: {  	_ =	shalt  }
0x4b: {  	_ =	shalt  }
0x4c: {  	_ =	shalt  }
0x4d: {  	_ =	shalt  }
0x4e: {  	_ =	shalt  }
0x4f: {  	_ =	shalt  }
0x50: {  	_ =	shalt  }
0x51: {  	_ =	shalt  }
0x52: {  	_ =	shalt  }
0x53: {  	_ =	shalt  }
0x54: {  	_ =	shalt  }
0x55: {  	_ =	shalt  }
0x56: {  	_ =	shalt  }
0x57: {  	_ =	shalt  }
0x58: {  	_ =	shalt  }
0x59: {  	_ =	shalt  }
0x5a: {  	_ =	shalt  }
0x5b: {  	_ =	shalt  }
0x5c: {  	_ =	shalt  }
0x5d: {  	_ =	shalt  }
0x5e: {  	_ =	shalt  }
0x5f: {  	_ =	shalt  }
0x60: {  	_ =	shalt  }
0x61: {  	_ =	shalt  }
0x62: {  	_ =	shalt  }
0x63: {  	_ =	shalt  }
0x64: {  	_ =	shalt  }
0x65: {  	_ =	shalt  }
0x66: {  	_ =	shalt  }
0x67: {  	_ =	shalt  }
0x68: {  	_ =	shalt  }
0x69: {  	_ =	shalt  }
0x6a: {  	_ =	shalt  }
0x6b: {  	_ =	shalt  }
0x6c: {  	_ =	shalt  }
0x6d: {  	_ =	shalt  }
0x6e: {  	_ =	shalt  }
0x6f: {  	_ =	shalt  }
0x70: {  	_ =	shalt  }
0x71: {  	_ =	shalt  }
0x72: {  	_ =	shalt  }
0x73: {  	_ =	shalt  }
0x74: {  	_ =	shalt  }
0x75: {  	_ =	shalt  }
0x76: {  	_ =	shalt  }
0x77: {  	_ =	shalt  }
0x78: {  	_ =	shalt  }
0x79: {  	_ =	shalt  }
0x7a: {  	_ =	shalt  }
0x7b: {  	_ =	shalt  }
0x7c: {  	_ =	shalt  }
0x7d: {  	_ =	shalt  }
0x7e: {  	_ =	shalt  }
0x7f: {  	_ =	shalt  }
0x80: {  	_ =	shalt  }
0x81: {  	_ =	shalt  }
0x82: {  	_ =	shalt  }
0x83: {  	_ =	shalt  }
0x84: {  	_ =	shalt  }
0x85: {  	_ =	shalt  }
0x86: {  	_ =	shalt  }
0x87: {  	_ =	shalt  }
.Lfunc_end0:
.L_simem_size_0:
called_computation_lowered:
.L_overlay_start_0:
0x88: {  	s2 =	sld [smem:$0x3FD9]  }
0x89: {  	s3 =	sld [smem:$0x3FFE];
	_ =	sdelay $0x1  }
0x8a: {  	s1 =	srdreg.scid  }
0x8b: {  	s0 =	sand.u32 $0x1, s1  }
0x8c: {  	s18 =	sshll.u32 s0, $0xA;
	s2 =	sadd.s32 s3, s2  }
0x8d: {  	s2 =	sadd.s32 s2, s18  }
0x8e: {  	[smem:$0x3FC6] =	sst s2  }
0x8f: {  	_ = 	snop  }
0x90: {  	s2 =	sld [smem:$0x3FC9]  }
0x91: {  	s19 =	sld [smem:$0x3FC8]  }
0x92: {  	s4 =	sld [smem:$0x3FD0];
	(tm) =	ssettm $0x1  }
0x93: {  	s5 =	sld [smem:$0x3FFB];
	_ =	sdelay $0x3  }
0x94: {  	_ =	strace s5  }
0x95: {  	s5 =	sld [smem:$0x3FFC];
	_ =	sdelay $0x3  }
0x96: {  	_ =	strace s5  }
0x97: {  	s5 =	sld [smem:$0x3FFD];
	_ =	sdelay $0x3  }
0x98: {  	_ =	strace s5  }
0x99: {  	_ =	strace $0x8FFFFFFF  }
0x9a: {  	s20 =	sld [smem:$0x3FDB];
	_ =	sdelay $0x1  }
0x9b: {  	s6 =	simm.s32 $_scs_section_size  }
0x9c: {  	s7 =	simm.s32 $_size__tile_overlayer_lowered;
	s8 =	simm.s32 $_tile_overlayer_lowered  }
0x9d: {  	s23 =	simm.s32 $0x1BFF;
	s22 =	sshll.u32 s8, $0x1;
	s5 =	sadd.s32 s6, s20  }
0x9e: {  	s9 =	simm.s32 $0x0;
	s21 =	sshll.u32 s7, $0x1;
	s7 =	sadd.s32 s22, s5  }
0x9f: {  	[timem:s9], [sflag:s23] =	dma.local [hbm:s7], s21  }
0xa0: {  	_ =	swait.ge [sflag:s23], s21  }
0xa1: {  	s6 =	ssub.s32 $0x0, s21;
	[sflag:s23] =	ssyncset.done $0x0  }
0xa2: {  	[sflag:s23] =	ssyncadd.s32 s6;
	_ =	sdelay $0x1  }
0xa3: {  	s24 =	simm.s32 $0x1B8B  }
0xa4: {  	_ =	swait.ge [sflag:s24], $0x1  }
0xa5: {  	[sflag:s24] =	ssyncset.done $0x0  }
0xa6: {  	s25 =	simm.s32 $0x1B8E;
	[sflag:s24] =	ssyncadd.s32 $0xFFFFFFFF  }
0xa7: {  	s26 =	simm.s32 $execute0_lowered;
	[smem:$0x3FD2] =	sst s25  }
0xa8: {  	s6 =	sshll.u32 s26, $0x1;
	_ =	strace $0x80000046;
	[dreg:$0x1] =	wrdreg $0xFFFFFFFF  }
0xa9: {  	s28 =	simm.s32 $_size_execute0_lowered;
	s5 =	sadd.s32 s5, s6;
	[dreg:$0x0] =	wrdreg $0x0  }
0xaa: {  	s6 =	sshll.u32 s28, $0x1;
	[dreg:$0x2] =	wrdreg s5  }
0xab: {  	[dreg:$0x3] =	wrdreg s6  }
0xac: {  	[dreg:$0x4] =	wrdreg $0xC0  }
0xad: {  	_ =	task [dreg:s9], $0x5FFFF  }
0xae: {  	[dreg:$0x1] =	wrdreg $0xFFFFFFFF  }
0xaf: {  	[dreg:$0x0] =	wrdreg $0x60  }
0xb0: {  	[dreg:$0x2] =	wrdreg s2  }
0xb1: {  	[dreg:$0x3] =	wrdreg s19  }
0xb2: {  	[dreg:$0x4] =	wrdreg s4  }
0xb3: {  	[dreg:$0x5] =	wrdreg $0x9  }
0xb4: {  	_ =	task.clear_ibuf [dreg:s9], $0x6FFFF;
	_ =	strace $0x90000046  }
0xb5: {  	s29 =	simm.s32 $0x9;
	_ =	strace $0x80000048  }
0xb6: {  	_ =	swait.ge [sflag:s29], $0x1  }
0xb7: {  	[sflag:s29] =	ssyncadd.s32 $0xFFFFFFFF  }
0xb8: {  	_ =	strace $0x90000048  }
0xb9: {  	_ =	sfence  }
0xba: {  	s30 =	sld [smem:$0x0];
	_ =	sdelay $0x2  }
0xbb: {  	s31 =	sshll.u32 s1, $0xD;
	s1 =	sshrl.u32 s1, $0x2  }
0xbc: {  	s3 =	sand.u32 $0x4000, s31;
	s1 =	sadd.s32 s1, s30  }
0xbd: {  	s0 =	sor.u32 s3, s0;
	s1 =	sshll.u32 s1, $0x11  }
0xbe: {  	s0 =	sor.u32 s1, s0  }
0xbf: {  	s0 =	sadd.s32 $0x8F2B, s0  }
0xc0: {  	[sflag:s0] =	ssyncadd.remote.s32 $0x1  }
0xc1: {  	_ =	sfence.sel $0xFFFF  }
0xc2: {  	[dreg:$0x0] =	wrdreg $0xFFFFFFFF;
	(pc) =	sbr.abs _section_cstart, $3  }
0xc3: {  	[dreg:$0x1] =	wrdreg $0xFFFFFFFF  }
0xc4: {  	_ =	task.clear_ibuf [dreg:s9], $0x2FFFF;
	_ =	strace $0x9FFFFFFF  }
0xc5: {  	(tm) =	ssettm $0x7FFFFFFF  }
tec
execute0_lowered:
.L_overlay_start_1:
0x0: {  	(tag) =	ssettag $0x1  }
0x1: {  	s1 =	rddreg [dreg:$0x0]  }
0x2: {  	s2 =	srdreg.scid;
	s4 =	rddreg [dreg:$0x1]  }
0x3: {  	s0 =	stileid.u32;
	s9 =	rddreg [dreg:$0x2];
	s6 =	sand.u32 $0x1, s2  }
0x4: {  	s3 =	simm.s32 $0x0;
	s5 =	sshll.u32 s0, $0x6;
	s7 =	sshll.u32 s6, $0x5  }
0x5: {  	[smem:$0x7FF] =	sst s3;
	s10 =	sor.u32 s7, s5  }
0x6: {  	s2 =	rddreg [dreg:$0x3];
	_ =	strace $0x80000047;
	s5 =	sshrl.u32 s10, $0x3  }
0x7: {  	s11 =	ssub.s32 $0x2, s6;
	s5 =	sadd.s32 s4, s5;
	s4 =	simm.s32 $0x2  }
0x8: {  	[tilespmem:s3], [sflag:$0x2] =	stream.linear.gather [hbm4b:s5+s3], $0x20, $0x38;
	[tilespmem:$0x1080] =	vst v63  }
0x9: {  	s8 =	simm.s32 $0x1;
	s12 =	sshrl.u32 s11, $0x1;
	_ =	swait.ge [sflag:s4], $0x20  }
0xa: {  	s6 =	simm.s32 $0x20;
	s11 =	ssub.s32 s11, s12;
	[sflag:s4] =	ssyncset.done $0x0  }
0xb: {  	s7 =	simm.s32 $0x80;
	s31 =	smax.u32 s11, $0x1;
	[sflag:s4] =	ssyncadd.s32 $0xFFFFFFE0  }
0xc: {  	[tilespmem:s7], [sflag:$0x1] =	stream.indirect.gather [hbm4b:s1+s6], $0x80, s3, s6, $0xb8;
	[tilespmem:$0x1080] =	vst v63  }
0xd: {  	p0 =	sne.s32 s31, $0x1;
	_ =	swait.ge [sflag:s8], $0x1000  }
.Ltmp0:
0xe: {  	s10 =	sshll.u32 s10, $0x4;
	[sflag:s8] =	ssyncset.done $0x0;
	(pc) =	sbr.rel @!p0 .LBB2_2-.Ltmp0, $4  }
0xf: {  	s9 =	sadd.s32 s9, s10;
	[sflag:s8] =	ssyncadd.s32 $0xFFFFF000  }
0x10: {  	[hbm4b:s9+s3] =	stream.linear.scatter [tilespmem:s7], [sflag:$0x2], $0x1000, $0x38;
	[tilespmem:$0x1080] =	vst v63  }
0x11: {  	_ =	swait.ge [sflag:s4], $0x1000  }
0x12: {  	s10 =	sadd.s32 $0xFFFFFFFF, s31;
	[sflag:s4] =	ssyncset.done $0x0  }
.LBB2_1:
0x13: {  	p0 =	sne.s32 s10, $0x1;
	s10 =	sadd.s32 $0xFFFFFFFF, s10;
	[sflag:s4] =	ssyncadd.s32 $0xFFFFF000  }
0x14: {  	[tilespmem:s3], [sflag:$0x2] =	stream.linear.gather [hbm4b:s5+s3], $0x20, $0x38;
	[tilespmem:$0x1080] =	vst v63  }
0x15: {  	_ =	swait.ge [sflag:s4], $0x20  }
0x16: {  	[sflag:s4] =	ssyncset.done $0x0  }
0x17: {  	[sflag:s4] =	ssyncadd.s32 $0xFFFFFFE0  }
0x18: {  	[tilespmem:s7], [sflag:$0x1] =	stream.indirect.gather [hbm4b:s1+s6], $0x80, s3, s6, $0xb8;
	[tilespmem:$0x1080] =	vst v63  }
0x19: {  	_ =	swait.ge [sflag:s8], $0x1000  }
.Ltmp1:
0x1a: {  	[sflag:s8] =	ssyncset.done $0x0;
	(pc) =	sbr.rel @p0 .LBB2_1-.Ltmp1, $4  }
0x1b: {  	[sflag:s8] =	ssyncadd.s32 $0xFFFFF000  }
0x1c: {  	[hbm4b:s9+s3] =	stream.linear.scatter [tilespmem:s7], [sflag:$0x2], $0x1000, $0x38;
	[tilespmem:$0x1080] =	vst v63  }
0x1d: {  	_ =	swait.ge [sflag:s4], $0x1000  }
0x1e: {  	[sflag:s4] =	ssyncset.done $0x0  }
.LBB2_2:
0x1f: {  	[sflag:s4] =	ssyncadd.s32 $0xFFFFF000  }
0x20: {  	_ =	sfence.sel $0x180000  }
0x21: {  	[bflag:$0x0] =	sbarrier.arrive $0xFFFF  }
0x22: {  	p0 =	sne.s32 s0, $0x0;
	_ =	strace $0x90000047  }
0x23: {  	s0 =	sadd.s32 @!p0 $0x100000, s2;
	[bflag:$0x2] =	sbarrier.arrive $0xFFFF  }
0x24: {  	[sflag:s0] =	ssyncadd.tile.s32 @!p0 $0x1;
	_ =	shalt  }
.Lfunc_end2:
_tile_overlayer_lowered:
.L_overlay_start_2:
0x25: {  	(tag) =	ssettag $0x2  }
0x26: {  	s0 =	rddreg [dreg:$0x0];
	s2 =	stileid.u32  }
0x27: {  	s1 =	rddreg [dreg:$0x1];
	p0 =	sne.s32 s2, $0x0  }
0x28: {  	s3 =	rddreg [dreg:$0x2];
	[bflag:$0x3] =	sbarrier.arrive $0xFFFF;
	s2 =	simm.s32 @!p0 $0x1C02  }
0x29: {  	[timem:s3], [sflag:s2] =	dma.local @!p0 [hbm:s0], s1  }
0x2a: {  	s0 =	simm.s32 @!p0 $0x2  }
0x2b: {  	_ =	swait.ge @!p0 [sflag:s0], s1  }
0x2c: {  	s1 =	ssub.s32 @!p0 $0x0, s1;
	[sflag:s0] =	ssyncset.done @!p0 $0x0  }
0x2d: {  	[sflag:s0] =	ssyncadd.s32 @!p0 s1  }
0x2e: {  	[bflag:$0x3] =	sbarrier.arrive $0xFFFF  }
0x2f: {  	_ =	shalt  }

</sc_bundles>
